<compile_context>
chip_gen: v7x
topology: tpu7x:2x2x1
jax: 0.10.2.dev20260603
libtpu: 0.0.44.dev20260713+nightly
codegen_flags: <defaults>
</compile_context>

<pallas_src>
import functools

import jax
import jax.numpy as jnp
from jax import lax
from jax.experimental import pallas as pl
from jax.experimental.pallas import tpu as pltpu
from jax.experimental.pallas import tpu_sc as plsc

_Q = 4
_D = 128
_B = 16384
_NC = 2
_NS = 16
_NW = _NC * _NS
_RPW = _B // _NW
_VEC = 16
_CH = _RPW // 4


def _sc_body(x_hbm, lt_hbm, out_hbm, xbuf, tbuf, res, sem0, sem1, semt):
    wid = lax.axis_index("s") * _NC + lax.axis_index("c")
    base = wid * _RPW

    def chunk_copy(q, sem):
        return pltpu.make_async_copy(
            x_hbm.at[pl.ds((base + q * _CH) * _D, _CH * _D)],
            xbuf.at[pl.ds(q * _CH * _D, _CH * _D)], sem)

    chunk_copy(0, sem0).start()
    cpt = pltpu.make_async_copy(lt_hbm, tbuf, semt)
    cpt.start()
    for q in range(1, 4):
        chunk_copy(q, sem1).start()

    lanes = lax.iota(jnp.int32, _VEC)
    rows_off = lanes * _D

    _UNROLL = 16

    cpt.wait()
    _BPC = _CH // _VEC

    def blk_body(b, carry):
        @pl.when(b == 0)
        def _():
            chunk_copy(0, sem0).wait()

        @pl.when(b == _BPC)
        def _():
            chunk_copy(1, sem1).wait()

        @pl.when(b == 2 * _BPC)
        def _():
            chunk_copy(2, sem1).wait()

        @pl.when(b == 3 * _BPC)
        def _():
            chunk_copy(3, sem1).wait()

        rows_b = rows_off + b * (_VEC * _D)

        def chunk_steps(u, accs):
            accs = list(accs)
            c0 = (lanes + u * _UNROLL) & (_D - 1)
            cs = [c0, (c0 + 1) & (_D - 1)]
            for t in range(_UNROLL):
                c = cs[t % 2]
                xv = plsc.load_gather(xbuf, [rows_b + c])
                accs[t % 4] = accs[t % 4] + plsc.load_gather(
                    tbuf, [xv * _D + c])
                cs[t % 2] = (c + 2) & (_D - 1)
            return tuple(accs)

        zero = jnp.zeros((_VEC,), jnp.float32)
        accs = lax.fori_loop(0, _D // _UNROLL, chunk_steps, (zero,) * 4)
        res[pl.ds(b * _VEC, _VEC)] = (accs[0] + accs[1]) + (accs[2] + accs[3])
        return carry

    lax.fori_loop(0, _RPW // _VEC, blk_body, 0)

    pltpu.sync_copy(res, out_hbm.at[pl.ds(base, _RPW)])


_sc_call = functools.partial(
    pl.kernel,
    out_type=jax.ShapeDtypeStruct((_B,), jnp.float32),
    mesh=plsc.VectorSubcoreMesh(core_axis_name="c", subcore_axis_name="s"),
    compiler_params=pltpu.CompilerParams(needs_layout_passes=False),
    scratch_types=[
        pltpu.VMEM((_RPW * _D,), jnp.int32),
        pltpu.VMEM((_D * _Q,), jnp.float32),
        pltpu.VMEM((_RPW,), jnp.float32),
        pltpu.SemaphoreType.DMA,
        pltpu.SemaphoreType.DMA,
        pltpu.SemaphoreType.DMA,
    ],
)(_sc_body)


def kernel(x, category_parameters):
    lt = jnp.log(category_parameters * (1.0 - 0.2 * _Q) + 0.2)
    out = _sc_call(x.astype(jnp.int32).reshape(-1),
                   lt.reshape(-1).astype(jnp.float32))
    return lax.stop_gradient(out[:, None])

# --- scband reference (transcript-rebuilt; emitter-appended) ---
"""Pipeline reference for scband-category-distribution-model-6562710028406 (READ-ONLY COPY).

The authoritative reference and input builder live on the scoring server;
editing this copy changes nothing except your own understanding.
"""

import jax, jax.numpy as jnp
import numpy as np

Q_LEVEL = 4
INPUT_DIM = 128
BATCH = 16384

def setup_inputs(seed: int = 0) -> dict:
    key = jax.random.key(seed)
    k1, k2 = jax.random.split(key)
    x = jax.random.randint(k1, (BATCH, INPUT_DIM), 0, Q_LEVEL, dtype=jnp.int64 if jax.config.jax_enable_x64 else jnp.int32)
    category_parameters = jax.random.uniform(k2, (Q_LEVEL, INPUT_DIM), dtype=jnp.float32)
    return {"x": x, "category_parameters": category_parameters}

def reference(x, category_parameters):
    # torch.gather(params, 0, x): out[i, j] = params[x[i, j], j]
    test_outputs = jnp.take_along_axis(category_parameters, x, axis=0)
    # log=True branch
    test_outputs = jnp.log(test_outputs * (1.0 - 0.2 * Q_LEVEL) + 0.2)
    score = test_outputs
    return_value = score.sum(axis=1)
    return_value = return_value[:, None]
    # .detach() in torch -> stop_gradient
    return jax.lax.stop_gradient(return_value)

if __name__ == "__main__":
    import jax
    _d = setup_inputs()
    print(jax.jit(kernel)(*tuple(_d.values())))

</pallas_src>

<mosaic_0001>
#map = affine_map<(d0, d1) -> (0)>
module attributes {stable_mosaic.version = 14 : i64} {
  func.func @_sc_body(%arg0: i32, %arg1: i32, %arg2: memref<2097152xi32, #tpu.memory_space<hbm>>, %arg3: memref<512xf32, #tpu.memory_space<hbm>>, %arg4: memref<16384xf32, #tpu.memory_space<hbm>>, %arg5: memref<65536xi32, #tpu.memory_space<vmem>>, %arg6: memref<512xf32, #tpu.memory_space<vmem>>, %arg7: memref<512xf32, #tpu.memory_space<vmem>>, %arg8: memref<!tpu.dma_semaphore, #tpu.memory_space<semaphore_mem>>, %arg9: memref<!tpu.dma_semaphore, #tpu.memory_space<semaphore_mem>>, %arg10: memref<!tpu.dma_semaphore, #tpu.memory_space<semaphore_mem>>) attributes {dimension_semantics = [#tpu.dimension_semantics<core_parallel>, #tpu.dimension_semantics<subcore_parallel>], iteration_bounds = array<i64: 2, 16>, scalar_prefetch = 0 : i64, scratch_operands = 6 : i64, tpu.core_type = #tpu.core_type<sc_vector_subcore>, window_params = [{transform_indices = #map}, {transform_indices = #map}, {transform_indices = #map}]} {
    %mul3A = arith.constant 2 : i32
    %mul3A_0 = arith.muli %arg1, %mul3A : i32
    %add3A = arith.addi %mul3A_0, %arg0 : i32
    %mul3A_1 = arith.constant 512 : i32
    %mul3A_2 = arith.muli %add3A, %mul3A_1 : i32
    %add3A_3 = arith.constant 0 : i32
    %add3A_4 = arith.addi %mul3A_2, %add3A_3 : i32
    %mul3A_5 = arith.constant 128 : i32
    %mul3A_6 = arith.muli %add3A_4, %mul3A_5 : i32
    %dma_start3A = arith.constant 0 : i32
    %dma_start3A_7 = tpu.memref_slice %arg5[%dma_start3A] : memref<65536xi32, #tpu.memory_space<vmem>> -> memref<16384xi32, #tpu.memory_space<vmem>>
    %dma_start3A_8 = tpu.memref_slice %arg2[%mul3A_6] : memref<2097152xi32, #tpu.memory_space<hbm>> -> memref<16384xi32, #tpu.memory_space<hbm>>
    %dma_start3A_9 = arith.constant 0 : i32
    %dma_start3A_10 = tpu.memref_slice %arg5[%dma_start3A_9] : memref<65536xi32, #tpu.memory_space<vmem>> -> memref<16384xi32, #tpu.memory_space<vmem>>
    %dma_start3A_11 = tpu.memref_slice %arg2[%mul3A_6] : memref<2097152xi32, #tpu.memory_space<hbm>> -> memref<16384xi32, #tpu.memory_space<hbm>>
    tpu.enqueue_dma source(%dma_start3A_11 : memref<16384xi32, #tpu.memory_space<hbm>>) target(%dma_start3A_10 : memref<16384xi32, #tpu.memory_space<vmem>>) target_semaphore(%arg8 : memref<!tpu.dma_semaphore, #tpu.memory_space<semaphore_mem>>)
    tpu.enqueue_dma source(%arg3 : memref<512xf32, #tpu.memory_space<hbm>>) target(%arg6 : memref<512xf32, #tpu.memory_space<vmem>>) target_semaphore(%arg10 : memref<!tpu.dma_semaphore, #tpu.memory_space<semaphore_mem>>)
    %add3A_12 = arith.constant 128 : i32
    %add3A_13 = arith.addi %mul3A_2, %add3A_12 : i32
    %mul3A_14 = arith.constant 128 : i32
    %mul3A_15 = arith.muli %add3A_13, %mul3A_14 : i32
    %dma_start3A_16 = arith.constant 16384 : i32
    %dma_start3A_17 = tpu.memref_slice %arg5[%dma_start3A_16] : memref<65536xi32, #tpu.memory_space<vmem>> -> memref<16384xi32, #tpu.memory_space<vmem>>
    %dma_start3A_18 = tpu.memref_slice %arg2[%mul3A_15] : memref<2097152xi32, #tpu.memory_space<hbm>> -> memref<16384xi32, #tpu.memory_space<hbm>>
    %dma_start3A_19 = arith.constant 16384 : i32
    %dma_start3A_20 = tpu.memref_slice %arg5[%dma_start3A_19] : memref<65536xi32, #tpu.memory_space<vmem>> -> memref<16384xi32, #tpu.memory_space<vmem>>
    %dma_start3A_21 = tpu.memref_slice %arg2[%mul3A_15] : memref<2097152xi32, #tpu.memory_space<hbm>> -> memref<16384xi32, #tpu.memory_space<hbm>>
    tpu.enqueue_dma source(%dma_start3A_21 : memref<16384xi32, #tpu.memory_space<hbm>>) target(%dma_start3A_20 : memref<16384xi32, #tpu.memory_space<vmem>>) target_semaphore(%arg9 : memref<!tpu.dma_semaphore, #tpu.memory_space<semaphore_mem>>)
    %add3A_22 = arith.constant 256 : i32
    %add3A_23 = arith.addi %mul3A_2, %add3A_22 : i32
    %mul3A_24 = arith.constant 128 : i32
    %mul3A_25 = arith.muli %add3A_23, %mul3A_24 : i32
    %dma_start3A_26 = arith.constant 32768 : i32
    %dma_start3A_27 = tpu.memref_slice %arg5[%dma_start3A_26] : memref<65536xi32, #tpu.memory_space<vmem>> -> memref<16384xi32, #tpu.memory_space<vmem>>
    %dma_start3A_28 = tpu.memref_slice %arg2[%mul3A_25] : memref<2097152xi32, #tpu.memory_space<hbm>> -> memref<16384xi32, #tpu.memory_space<hbm>>
    %dma_start3A_29 = arith.constant 32768 : i32
    %dma_start3A_30 = tpu.memref_slice %arg5[%dma_start3A_29] : memref<65536xi32, #tpu.memory_space<vmem>> -> memref<16384xi32, #tpu.memory_space<vmem>>
    %dma_start3A_31 = tpu.memref_slice %arg2[%mul3A_25] : memref<2097152xi32, #tpu.memory_space<hbm>> -> memref<16384xi32, #tpu.memory_space<hbm>>
    tpu.enqueue_dma source(%dma_start3A_31 : memref<16384xi32, #tpu.memory_space<hbm>>) target(%dma_start3A_30 : memref<16384xi32, #tpu.memory_space<vmem>>) target_semaphore(%arg9 : memref<!tpu.dma_semaphore, #tpu.memory_space<semaphore_mem>>)
    %add3A_32 = arith.constant 384 : i32
    %add3A_33 = arith.addi %mul3A_2, %add3A_32 : i32
    %mul3A_34 = arith.constant 128 : i32
    %mul3A_35 = arith.muli %add3A_33, %mul3A_34 : i32
    %dma_start3A_36 = arith.constant 49152 : i32
    %dma_start3A_37 = tpu.memref_slice %arg5[%dma_start3A_36] : memref<65536xi32, #tpu.memory_space<vmem>> -> memref<16384xi32, #tpu.memory_space<vmem>>
    %dma_start3A_38 = tpu.memref_slice %arg2[%mul3A_35] : memref<2097152xi32, #tpu.memory_space<hbm>> -> memref<16384xi32, #tpu.memory_space<hbm>>
    %dma_start3A_39 = arith.constant 49152 : i32
    %dma_start3A_40 = tpu.memref_slice %arg5[%dma_start3A_39] : memref<65536xi32, #tpu.memory_space<vmem>> -> memref<16384xi32, #tpu.memory_space<vmem>>
    %dma_start3A_41 = tpu.memref_slice %arg2[%mul3A_35] : memref<2097152xi32, #tpu.memory_space<hbm>> -> memref<16384xi32, #tpu.memory_space<hbm>>
    tpu.enqueue_dma source(%dma_start3A_41 : memref<16384xi32, #tpu.memory_space<hbm>>) target(%dma_start3A_40 : memref<16384xi32, #tpu.memory_space<vmem>>) target_semaphore(%arg9 : memref<!tpu.dma_semaphore, #tpu.memory_space<semaphore_mem>>)
    %iota3A = tpu.iota {dimensions = array<i32: 0>} : vector<16xi32>
    %mul3A_42 = arith.constant 128 : i32
    %mul3A_43 = vector.broadcast %mul3A_42 : i32 to vector<16xi32>
    %mul3A_44 = arith.muli %iota3A, %mul3A_43 : vector<16xi32>
    tpu.wait_dma2 semaphore(%arg10 : memref<!tpu.dma_semaphore, #tpu.memory_space<semaphore_mem>>) src(%arg3 : memref<512xf32, #tpu.memory_space<hbm>>) dst(%arg6 : memref<512xf32, #tpu.memory_space<vmem>>)
    %scan3A = arith.constant 0 : i32
    %scan3A_45 = arith.constant 0 : i32
    %scan3A_46 = arith.constant 32 : i32
    %scan3A_47 = arith.addi %scan3A_45, %scan3A_46 : i32
    %scan3A_48 = arith.constant 1 : i32
    scf.for %scan3A_50 = %scan3A_45 to %scan3A_47 step %scan3A_48  : i32 {
      %eq3A = arith.constant 0 : i32
      %eq3A_51 = arith.cmpi eq, %scan3A_50, %eq3A : i32
      %convert_element_type3A = arith.extui %eq3A_51 : i1 to i32
      %cond3A = arith.constant 0 : i32
      %cond3A_52 = arith.cmpi ne, %convert_element_type3A, %cond3A : i32
      scf.if %cond3A_52 {
        %add3A_85 = arith.constant 0 : i32
        %add3A_86 = arith.addi %mul3A_2, %add3A_85 : i32
        %mul3A_87 = arith.constant 128 : i32
        %mul3A_88 = arith.muli %add3A_86, %mul3A_87 : i32
        %dma_wait3A = arith.constant 0 : i32
        %dma_wait3A_89 = tpu.memref_slice %arg5[%dma_wait3A] : memref<65536xi32, #tpu.memory_space<vmem>> -> memref<16384xi32, #tpu.memory_space<vmem>>
        %dma_wait3A_90 = tpu.memref_slice %arg2[%mul3A_88] : memref<2097152xi32, #tpu.memory_space<hbm>> -> memref<16384xi32, #tpu.memory_space<hbm>>
        %dma_wait3A_91 = arith.constant 0 : i32
        %dma_wait3A_92 = tpu.memref_slice %arg5[%dma_wait3A_91] : memref<65536xi32, #tpu.memory_space<vmem>> -> memref<16384xi32, #tpu.memory_space<vmem>>
        %dma_wait3A_93 = tpu.memref_slice %arg2[%mul3A_88] : memref<2097152xi32, #tpu.memory_space<hbm>> -> memref<16384xi32, #tpu.memory_space<hbm>>
        tpu.wait_dma2 semaphore(%arg8 : memref<!tpu.dma_semaphore, #tpu.memory_space<semaphore_mem>>) src(%dma_wait3A_93 : memref<16384xi32, #tpu.memory_space<hbm>>) dst(%dma_wait3A_92 : memref<16384xi32, #tpu.memory_space<vmem>>)
      } else {
      }
      %eq3A_53 = arith.constant 8 : i32
      %eq3A_54 = arith.cmpi eq, %scan3A_50, %eq3A_53 : i32
      %convert_element_type3A_55 = arith.extui %eq3A_54 : i1 to i32
      %cond3A_56 = arith.constant 0 : i32
      %cond3A_57 = arith.cmpi ne, %convert_element_type3A_55, %cond3A_56 : i32
      scf.if %cond3A_57 {
        %add3A_85 = arith.constant 128 : i32
        %add3A_86 = arith.addi %mul3A_2, %add3A_85 : i32
        %mul3A_87 = arith.constant 128 : i32
        %mul3A_88 = arith.muli %add3A_86, %mul3A_87 : i32
        %dma_wait3A = arith.constant 16384 : i32
        %dma_wait3A_89 = tpu.memref_slice %arg5[%dma_wait3A] : memref<65536xi32, #tpu.memory_space<vmem>> -> memref<16384xi32, #tpu.memory_space<vmem>>
        %dma_wait3A_90 = tpu.memref_slice %arg2[%mul3A_88] : memref<2097152xi32, #tpu.memory_space<hbm>> -> memref<16384xi32, #tpu.memory_space<hbm>>
        %dma_wait3A_91 = arith.constant 16384 : i32
        %dma_wait3A_92 = tpu.memref_slice %arg5[%dma_wait3A_91] : memref<65536xi32, #tpu.memory_space<vmem>> -> memref<16384xi32, #tpu.memory_space<vmem>>
        %dma_wait3A_93 = tpu.memref_slice %arg2[%mul3A_88] : memref<2097152xi32, #tpu.memory_space<hbm>> -> memref<16384xi32, #tpu.memory_space<hbm>>
        tpu.wait_dma2 semaphore(%arg9 : memref<!tpu.dma_semaphore, #tpu.memory_space<semaphore_mem>>) src(%dma_wait3A_93 : memref<16384xi32, #tpu.memory_space<hbm>>) dst(%dma_wait3A_92 : memref<16384xi32, #tpu.memory_space<vmem>>)
      } else {
      }
      %eq3A_58 = arith.constant 16 : i32
      %eq3A_59 = arith.cmpi eq, %scan3A_50, %eq3A_58 : i32
      %convert_element_type3A_60 = arith.extui %eq3A_59 : i1 to i32
      %cond3A_61 = arith.constant 0 : i32
      %cond3A_62 = arith.cmpi ne, %convert_element_type3A_60, %cond3A_61 : i32
      scf.if %cond3A_62 {
        %add3A_85 = arith.constant 256 : i32
        %add3A_86 = arith.addi %mul3A_2, %add3A_85 : i32
        %mul3A_87 = arith.constant 128 : i32
        %mul3A_88 = arith.muli %add3A_86, %mul3A_87 : i32
        %dma_wait3A = arith.constant 32768 : i32
        %dma_wait3A_89 = tpu.memref_slice %arg5[%dma_wait3A] : memref<65536xi32, #tpu.memory_space<vmem>> -> memref<16384xi32, #tpu.memory_space<vmem>>
        %dma_wait3A_90 = tpu.memref_slice %arg2[%mul3A_88] : memref<2097152xi32, #tpu.memory_space<hbm>> -> memref<16384xi32, #tpu.memory_space<hbm>>
        %dma_wait3A_91 = arith.constant 32768 : i32
        %dma_wait3A_92 = tpu.memref_slice %arg5[%dma_wait3A_91] : memref<65536xi32, #tpu.memory_space<vmem>> -> memref<16384xi32, #tpu.memory_space<vmem>>
        %dma_wait3A_93 = tpu.memref_slice %arg2[%mul3A_88] : memref<2097152xi32, #tpu.memory_space<hbm>> -> memref<16384xi32, #tpu.memory_space<hbm>>
        tpu.wait_dma2 semaphore(%arg9 : memref<!tpu.dma_semaphore, #tpu.memory_space<semaphore_mem>>) src(%dma_wait3A_93 : memref<16384xi32, #tpu.memory_space<hbm>>) dst(%dma_wait3A_92 : memref<16384xi32, #tpu.memory_space<vmem>>)
      } else {
      }
      %eq3A_63 = arith.constant 24 : i32
      %eq3A_64 = arith.cmpi eq, %scan3A_50, %eq3A_63 : i32
      %convert_element_type3A_65 = arith.extui %eq3A_64 : i1 to i32
      %cond3A_66 = arith.constant 0 : i32
      %cond3A_67 = arith.cmpi ne, %convert_element_type3A_65, %cond3A_66 : i32
      scf.if %cond3A_67 {
        %add3A_85 = arith.constant 384 : i32
        %add3A_86 = arith.addi %mul3A_2, %add3A_85 : i32
        %mul3A_87 = arith.constant 128 : i32
        %mul3A_88 = arith.muli %add3A_86, %mul3A_87 : i32
        %dma_wait3A = arith.constant 49152 : i32
        %dma_wait3A_89 = tpu.memref_slice %arg5[%dma_wait3A] : memref<65536xi32, #tpu.memory_space<vmem>> -> memref<16384xi32, #tpu.memory_space<vmem>>
        %dma_wait3A_90 = tpu.memref_slice %arg2[%mul3A_88] : memref<2097152xi32, #tpu.memory_space<hbm>> -> memref<16384xi32, #tpu.memory_space<hbm>>
        %dma_wait3A_91 = arith.constant 49152 : i32
        %dma_wait3A_92 = tpu.memref_slice %arg5[%dma_wait3A_91] : memref<65536xi32, #tpu.memory_space<vmem>> -> memref<16384xi32, #tpu.memory_space<vmem>>
        %dma_wait3A_93 = tpu.memref_slice %arg2[%mul3A_88] : memref<2097152xi32, #tpu.memory_space<hbm>> -> memref<16384xi32, #tpu.memory_space<hbm>>
        tpu.wait_dma2 semaphore(%arg9 : memref<!tpu.dma_semaphore, #tpu.memory_space<semaphore_mem>>) src(%dma_wait3A_93 : memref<16384xi32, #tpu.memory_space<hbm>>) dst(%dma_wait3A_92 : memref<16384xi32, #tpu.memory_space<vmem>>)
      } else {
      }
      %mul3A_68 = arith.constant 2048 : i32
      %mul3A_69 = arith.muli %scan3A_50, %mul3A_68 : i32
      %add3A_70 = vector.broadcast %mul3A_69 : i32 to vector<16xi32>
      %add3A_71 = arith.addi %mul3A_44, %add3A_70 : vector<16xi32>
      %broadcast_in_dim3A = arith.constant 0.000000e+00 : f32
      %broadcast_in_dim3A_72 = vector.broadcast %broadcast_in_dim3A : f32 to vector<16xf32>
      %scan3A_73 = arith.constant 0 : i32
      %scan3A_74 = arith.constant 8 : i32
      %scan3A_75 = arith.addi %scan3A_73, %scan3A_74 : i32
      %scan3A_76 = arith.constant 1 : i32
      %scan3A_77:4 = scf.for %scan3A_85 = %scan3A_73 to %scan3A_75 step %scan3A_76 iter_args(%scan3A_86 = %broadcast_in_dim3A_72, %scan3A_87 = %broadcast_in_dim3A_72, %scan3A_88 = %broadcast_in_dim3A_72, %scan3A_89 = %broadcast_in_dim3A_72) -> (vector<16xf32>, vector<16xf32>, vector<16xf32>, vector<16xf32>)  : i32 {
        %mul3A_90 = arith.constant 16 : i32
        %mul3A_91 = arith.muli %scan3A_85, %mul3A_90 : i32
        %add3A_92 = vector.broadcast %mul3A_91 : i32 to vector<16xi32>
        %add3A_93 = arith.addi %iota3A, %add3A_92 : vector<16xi32>
        %and3A = arith.constant 127 : i32
        %and3A_94 = vector.broadcast %and3A : i32 to vector<16xi32>
        %and3A_95 = arith.andi %add3A_93, %and3A_94 : vector<16xi32>
        %add3A_96 = arith.constant 1 : i32
        %add3A_97 = vector.broadcast %add3A_96 : i32 to vector<16xi32>
        %add3A_98 = arith.addi %and3A_95, %add3A_97 : vector<16xi32>
        %and3A_99 = arith.constant 127 : i32
        %and3A_100 = vector.broadcast %and3A_99 : i32 to vector<16xi32>
        %and3A_101 = arith.andi %add3A_98, %and3A_100 : vector<16xi32>
        %add3A_102 = arith.addi %add3A_71, %and3A_95 : vector<16xi32>
        %gather3A = tpu.vector_load_idx %arg5[%add3A_102] : memref<65536xi32, #tpu.memory_space<vmem>>[vector<16xi32>], vector<16xi32>,
        %mul3A_103 = arith.constant 128 : i32
        %mul3A_104 = vector.broadcast %mul3A_103 : i32 to vector<16xi32>
        %mul3A_105 = arith.muli %gather3A, %mul3A_104 : vector<16xi32>
        %add3A_106 = arith.addi %mul3A_105, %and3A_95 : vector<16xi32>
        %gather3A_107 = tpu.vector_load_idx %arg6[%add3A_106] : memref<512xf32, #tpu.memory_space<vmem>>[vector<16xi32>], vector<16xf32>,
        %add3A_108 = arith.addf %scan3A_86, %gather3A_107 : vector<16xf32>
        %add3A_109 = arith.constant 2 : i32
        %add3A_110 = vector.broadcast %add3A_109 : i32 to vector<16xi32>
        %add3A_111 = arith.addi %and3A_95, %add3A_110 : vector<16xi32>
        %and3A_112 = arith.constant 127 : i32
        %and3A_113 = vector.broadcast %and3A_112 : i32 to vector<16xi32>
        %and3A_114 = arith.andi %add3A_111, %and3A_113 : vector<16xi32>
        %add3A_115 = arith.addi %add3A_71, %and3A_101 : vector<16xi32>
        %gather3A_116 = tpu.vector_load_idx %arg5[%add3A_115] : memref<65536xi32, #tpu.memory_space<vmem>>[vector<16xi32>], vector<16xi32>,
        %mul3A_117 = arith.constant 128 : i32
        %mul3A_118 = vector.broadcast %mul3A_117 : i32 to vector<16xi32>
        %mul3A_119 = arith.muli %gather3A_116, %mul3A_118 : vector<16xi32>
        %add3A_120 = arith.addi %mul3A_119, %and3A_101 : vector<16xi32>
        %gather3A_121 = tpu.vector_load_idx %arg6[%add3A_120] : memref<512xf32, #tpu.memory_space<vmem>>[vector<16xi32>], vector<16xf32>,
        %add3A_122 = arith.addf %scan3A_87, %gather3A_121 : vector<16xf32>
        %add3A_123 = arith.constant 2 : i32
        %add3A_124 = vector.broadcast %add3A_123 : i32 to vector<16xi32>
        %add3A_125 = arith.addi %and3A_101, %add3A_124 : vector<16xi32>
        %and3A_126 = arith.constant 127 : i32
        %and3A_127 = vector.broadcast %and3A_126 : i32 to vector<16xi32>
        %and3A_128 = arith.andi %add3A_125, %and3A_127 : vector<16xi32>
        %add3A_129 = arith.addi %add3A_71, %and3A_114 : vector<16xi32>
        %gather3A_130 = tpu.vector_load_idx %arg5[%add3A_129] : memref<65536xi32, #tpu.memory_space<vmem>>[vector<16xi32>], vector<16xi32>,
        %mul3A_131 = arith.constant 128 : i32
        %mul3A_132 = vector.broadcast %mul3A_131 : i32 to vector<16xi32>
        %mul3A_133 = arith.muli %gather3A_130, %mul3A_132 : vector<16xi32>
        %add3A_134 = arith.addi %mul3A_133, %and3A_114 : vector<16xi32>
        %gather3A_135 = tpu.vector_load_idx %arg6[%add3A_134] : memref<512xf32, #tpu.memory_space<vmem>>[vector<16xi32>], vector<16xf32>,
        %add3A_136 = arith.addf %scan3A_88, %gather3A_135 : vector<16xf32>
        %add3A_137 = arith.constant 2 : i32
        %add3A_138 = vector.broadcast %add3A_137 : i32 to vector<16xi32>
        %add3A_139 = arith.addi %and3A_114, %add3A_138 : vector<16xi32>
        %and3A_140 = arith.constant 127 : i32
        %and3A_141 = vector.broadcast %and3A_140 : i32 to vector<16xi32>
        %and3A_142 = arith.andi %add3A_139, %and3A_141 : vector<16xi32>
        %add3A_143 = arith.addi %add3A_71, %and3A_128 : vector<16xi32>
        %gather3A_144 = tpu.vector_load_idx %arg5[%add3A_143] : memref<65536xi32, #tpu.memory_space<vmem>>[vector<16xi32>], vector<16xi32>,
        %mul3A_145 = arith.constant 128 : i32
        %mul3A_146 = vector.broadcast %mul3A_145 : i32 to vector<16xi32>
        %mul3A_147 = arith.muli %gather3A_144, %mul3A_146 : vector<16xi32>
        %add3A_148 = arith.addi %mul3A_147, %and3A_128 : vector<16xi32>
        %gather3A_149 = tpu.vector_load_idx %arg6[%add3A_148] : memref<512xf32, #tpu.memory_space<vmem>>[vector<16xi32>], vector<16xf32>,
        %add3A_150 = arith.addf %scan3A_89, %gather3A_149 : vector<16xf32>
        %add3A_151 = arith.constant 2 : i32
        %add3A_152 = vector.broadcast %add3A_151 : i32 to vector<16xi32>
        %add3A_153 = arith.addi %and3A_128, %add3A_152 : vector<16xi32>
        %and3A_154 = arith.constant 127 : i32
        %and3A_155 = vector.broadcast %and3A_154 : i32 to vector<16xi32>
        %and3A_156 = arith.andi %add3A_153, %and3A_155 : vector<16xi32>
        %add3A_157 = arith.addi %add3A_71, %and3A_142 : vector<16xi32>
        %gather3A_158 = tpu.vector_load_idx %arg5[%add3A_157] : memref<65536xi32, #tpu.memory_space<vmem>>[vector<16xi32>], vector<16xi32>,
        %mul3A_159 = arith.constant 128 : i32
        %mul3A_160 = vector.broadcast %mul3A_159 : i32 to vector<16xi32>
        %mul3A_161 = arith.muli %gather3A_158, %mul3A_160 : vector<16xi32>
        %add3A_162 = arith.addi %mul3A_161, %and3A_142 : vector<16xi32>
        %gather3A_163 = tpu.vector_load_idx %arg6[%add3A_162] : memref<512xf32, #tpu.memory_space<vmem>>[vector<16xi32>], vector<16xf32>,
        %add3A_164 = arith.addf %add3A_108, %gather3A_163 : vector<16xf32>
        %add3A_165 = arith.constant 2 : i32
        %add3A_166 = vector.broadcast %add3A_165 : i32 to vector<16xi32>
        %add3A_167 = arith.addi %and3A_142, %add3A_166 : vector<16xi32>
        %and3A_168 = arith.constant 127 : i32
        %and3A_169 = vector.broadcast %and3A_168 : i32 to vector<16xi32>
        %and3A_170 = arith.andi %add3A_167, %and3A_169 : vector<16xi32>
        %add3A_171 = arith.addi %add3A_71, %and3A_156 : vector<16xi32>
        %gather3A_172 = tpu.vector_load_idx %arg5[%add3A_171] : memref<65536xi32, #tpu.memory_space<vmem>>[vector<16xi32>], vector<16xi32>,
        %mul3A_173 = arith.constant 128 : i32
        %mul3A_174 = vector.broadcast %mul3A_173 : i32 to vector<16xi32>
        %mul3A_175 = arith.muli %gather3A_172, %mul3A_174 : vector<16xi32>
        %add3A_176 = arith.addi %mul3A_175, %and3A_156 : vector<16xi32>
        %gather3A_177 = tpu.vector_load_idx %arg6[%add3A_176] : memref<512xf32, #tpu.memory_space<vmem>>[vector<16xi32>], vector<16xf32>,
        %add3A_178 = arith.addf %add3A_122, %gather3A_177 : vector<16xf32>
        %add3A_179 = arith.constant 2 : i32
        %add3A_180 = vector.broadcast %add3A_179 : i32 to vector<16xi32>
        %add3A_181 = arith.addi %and3A_156, %add3A_180 : vector<16xi32>
        %and3A_182 = arith.constant 127 : i32
        %and3A_183 = vector.broadcast %and3A_182 : i32 to vector<16xi32>
        %and3A_184 = arith.andi %add3A_181, %and3A_183 : vector<16xi32>
        %add3A_185 = arith.addi %add3A_71, %and3A_170 : vector<16xi32>
        %gather3A_186 = tpu.vector_load_idx %arg5[%add3A_185] : memref<65536xi32, #tpu.memory_space<vmem>>[vector<16xi32>], vector<16xi32>,
        %mul3A_187 = arith.constant 128 : i32
        %mul3A_188 = vector.broadcast %mul3A_187 : i32 to vector<16xi32>
        %mul3A_189 = arith.muli %gather3A_186, %mul3A_188 : vector<16xi32>
        %add3A_190 = arith.addi %mul3A_189, %and3A_170 : vector<16xi32>
        %gather3A_191 = tpu.vector_load_idx %arg6[%add3A_190] : memref<512xf32, #tpu.memory_space<vmem>>[vector<16xi32>], vector<16xf32>,
        %add3A_192 = arith.addf %add3A_136, %gather3A_191 : vector<16xf32>
        %add3A_193 = arith.constant 2 : i32
        %add3A_194 = vector.broadcast %add3A_193 : i32 to vector<16xi32>
        %add3A_195 = arith.addi %and3A_170, %add3A_194 : vector<16xi32>
        %and3A_196 = arith.constant 127 : i32
        %and3A_197 = vector.broadcast %and3A_196 : i32 to vector<16xi32>
        %and3A_198 = arith.andi %add3A_195, %and3A_197 : vector<16xi32>
        %add3A_199 = arith.addi %add3A_71, %and3A_184 : vector<16xi32>
        %gather3A_200 = tpu.vector_load_idx %arg5[%add3A_199] : memref<65536xi32, #tpu.memory_space<vmem>>[vector<16xi32>], vector<16xi32>,
        %mul3A_201 = arith.constant 128 : i32
        %mul3A_202 = vector.broadcast %mul3A_201 : i32 to vector<16xi32>
        %mul3A_203 = arith.muli %gather3A_200, %mul3A_202 : vector<16xi32>
        %add3A_204 = arith.addi %mul3A_203, %and3A_184 : vector<16xi32>
        %gather3A_205 = tpu.vector_load_idx %arg6[%add3A_204] : memref<512xf32, #tpu.memory_space<vmem>>[vector<16xi32>], vector<16xf32>,
        %add3A_206 = arith.addf %add3A_150, %gather3A_205 : vector<16xf32>
        %add3A_207 = arith.constant 2 : i32
        %add3A_208 = vector.broadcast %add3A_207 : i32 to vector<16xi32>
        %add3A_209 = arith.addi %and3A_184, %add3A_208 : vector<16xi32>
        %and3A_210 = arith.constant 127 : i32
        %and3A_211 = vector.broadcast %and3A_210 : i32 to vector<16xi32>
        %and3A_212 = arith.andi %add3A_209, %and3A_211 : vector<16xi32>
        %add3A_213 = arith.addi %add3A_71, %and3A_198 : vector<16xi32>
        %gather3A_214 = tpu.vector_load_idx %arg5[%add3A_213] : memref<65536xi32, #tpu.memory_space<vmem>>[vector<16xi32>], vector<16xi32>,
        %mul3A_215 = arith.constant 128 : i32
        %mul3A_216 = vector.broadcast %mul3A_215 : i32 to vector<16xi32>
        %mul3A_217 = arith.muli %gather3A_214, %mul3A_216 : vector<16xi32>
        %add3A_218 = arith.addi %mul3A_217, %and3A_198 : vector<16xi32>
        %gather3A_219 = tpu.vector_load_idx %arg6[%add3A_218] : memref<512xf32, #tpu.memory_space<vmem>>[vector<16xi32>], vector<16xf32>,
        %add3A_220 = arith.addf %add3A_164, %gather3A_219 : vector<16xf32>
        %add3A_221 = arith.constant 2 : i32
        %add3A_222 = vector.broadcast %add3A_221 : i32 to vector<16xi32>
        %add3A_223 = arith.addi %and3A_198, %add3A_222 : vector<16xi32>
        %and3A_224 = arith.constant 127 : i32
        %and3A_225 = vector.broadcast %and3A_224 : i32 to vector<16xi32>
        %and3A_226 = arith.andi %add3A_223, %and3A_225 : vector<16xi32>
        %add3A_227 = arith.addi %add3A_71, %and3A_212 : vector<16xi32>
        %gather3A_228 = tpu.vector_load_idx %arg5[%add3A_227] : memref<65536xi32, #tpu.memory_space<vmem>>[vector<16xi32>], vector<16xi32>,
        %mul3A_229 = arith.constant 128 : i32
        %mul3A_230 = vector.broadcast %mul3A_229 : i32 to vector<16xi32>
        %mul3A_231 = arith.muli %gather3A_228, %mul3A_230 : vector<16xi32>
        %add3A_232 = arith.addi %mul3A_231, %and3A_212 : vector<16xi32>
        %gather3A_233 = tpu.vector_load_idx %arg6[%add3A_232] : memref<512xf32, #tpu.memory_space<vmem>>[vector<16xi32>], vector<16xf32>,
        %add3A_234 = arith.addf %add3A_178, %gather3A_233 : vector<16xf32>
        %add3A_235 = arith.constant 2 : i32
        %add3A_236 = vector.broadcast %add3A_235 : i32 to vector<16xi32>
        %add3A_237 = arith.addi %and3A_212, %add3A_236 : vector<16xi32>
        %and3A_238 = arith.constant 127 : i32
        %and3A_239 = vector.broadcast %and3A_238 : i32 to vector<16xi32>
        %and3A_240 = arith.andi %add3A_237, %and3A_239 : vector<16xi32>
        %add3A_241 = arith.addi %add3A_71, %and3A_226 : vector<16xi32>
        %gather3A_242 = tpu.vector_load_idx %arg5[%add3A_241] : memref<65536xi32, #tpu.memory_space<vmem>>[vector<16xi32>], vector<16xi32>,
        %mul3A_243 = arith.constant 128 : i32
        %mul3A_244 = vector.broadcast %mul3A_243 : i32 to vector<16xi32>
        %mul3A_245 = arith.muli %gather3A_242, %mul3A_244 : vector<16xi32>
        %add3A_246 = arith.addi %mul3A_245, %and3A_226 : vector<16xi32>
        %gather3A_247 = tpu.vector_load_idx %arg6[%add3A_246] : memref<512xf32, #tpu.memory_space<vmem>>[vector<16xi32>], vector<16xf32>,
        %add3A_248 = arith.addf %add3A_192, %gather3A_247 : vector<16xf32>
        %add3A_249 = arith.constant 2 : i32
        %add3A_250 = vector.broadcast %add3A_249 : i32 to vector<16xi32>
        %add3A_251 = arith.addi %and3A_226, %add3A_250 : vector<16xi32>
        %and3A_252 = arith.constant 127 : i32
        %and3A_253 = vector.broadcast %and3A_252 : i32 to vector<16xi32>
        %and3A_254 = arith.andi %add3A_251, %and3A_253 : vector<16xi32>
        %add3A_255 = arith.addi %add3A_71, %and3A_240 : vector<16xi32>
        %gather3A_256 = tpu.vector_load_idx %arg5[%add3A_255] : memref<65536xi32, #tpu.memory_space<vmem>>[vector<16xi32>], vector<16xi32>,
        %mul3A_257 = arith.constant 128 : i32
        %mul3A_258 = vector.broadcast %mul3A_257 : i32 to vector<16xi32>
        %mul3A_259 = arith.muli %gather3A_256, %mul3A_258 : vector<16xi32>
        %add3A_260 = arith.addi %mul3A_259, %and3A_240 : vector<16xi32>
        %gather3A_261 = tpu.vector_load_idx %arg6[%add3A_260] : memref<512xf32, #tpu.memory_space<vmem>>[vector<16xi32>], vector<16xf32>,
        %add3A_262 = arith.addf %add3A_206, %gather3A_261 : vector<16xf32>
        %add3A_263 = arith.constant 2 : i32
        %add3A_264 = vector.broadcast %add3A_263 : i32 to vector<16xi32>
        %add3A_265 = arith.addi %and3A_240, %add3A_264 : vector<16xi32>
        %and3A_266 = arith.constant 127 : i32
        %and3A_267 = vector.broadcast %and3A_266 : i32 to vector<16xi32>
        %and3A_268 = arith.andi %add3A_265, %and3A_267 : vector<16xi32>
        %add3A_269 = arith.addi %add3A_71, %and3A_254 : vector<16xi32>
        %gather3A_270 = tpu.vector_load_idx %arg5[%add3A_269] : memref<65536xi32, #tpu.memory_space<vmem>>[vector<16xi32>], vector<16xi32>,
        %mul3A_271 = arith.constant 128 : i32
        %mul3A_272 = vector.broadcast %mul3A_271 : i32 to vector<16xi32>
        %mul3A_273 = arith.muli %gather3A_270, %mul3A_272 : vector<16xi32>
        %add3A_274 = arith.addi %mul3A_273, %and3A_254 : vector<16xi32>
        %gather3A_275 = tpu.vector_load_idx %arg6[%add3A_274] : memref<512xf32, #tpu.memory_space<vmem>>[vector<16xi32>], vector<16xf32>,
        %add3A_276 = arith.addf %add3A_220, %gather3A_275 : vector<16xf32>
        %add3A_277 = arith.constant 2 : i32
        %add3A_278 = vector.broadcast %add3A_277 : i32 to vector<16xi32>
        %add3A_279 = arith.addi %and3A_254, %add3A_278 : vector<16xi32>
        %and3A_280 = arith.constant 127 : i32
        %and3A_281 = vector.broadcast %and3A_280 : i32 to vector<16xi32>
        %and3A_282 = arith.andi %add3A_279, %and3A_281 : vector<16xi32>
        %add3A_283 = arith.addi %add3A_71, %and3A_268 : vector<16xi32>
        %gather3A_284 = tpu.vector_load_idx %arg5[%add3A_283] : memref<65536xi32, #tpu.memory_space<vmem>>[vector<16xi32>], vector<16xi32>,
        %mul3A_285 = arith.constant 128 : i32
        %mul3A_286 = vector.broadcast %mul3A_285 : i32 to vector<16xi32>
        %mul3A_287 = arith.muli %gather3A_284, %mul3A_286 : vector<16xi32>
        %add3A_288 = arith.addi %mul3A_287, %and3A_268 : vector<16xi32>
        %gather3A_289 = tpu.vector_load_idx %arg6[%add3A_288] : memref<512xf32, #tpu.memory_space<vmem>>[vector<16xi32>], vector<16xf32>,
        %add3A_290 = arith.addf %add3A_234, %gather3A_289 : vector<16xf32>
        %add3A_291 = arith.constant 2 : i32
        %add3A_292 = vector.broadcast %add3A_291 : i32 to vector<16xi32>
        %add3A_293 = arith.addi %and3A_268, %add3A_292 : vector<16xi32>
        %and3A_294 = arith.constant 127 : i32
        %and3A_295 = vector.broadcast %and3A_294 : i32 to vector<16xi32>
        %and3A_296 = arith.andi %add3A_293, %and3A_295 : vector<16xi32>
        %add3A_297 = arith.addi %add3A_71, %and3A_282 : vector<16xi32>
        %gather3A_298 = tpu.vector_load_idx %arg5[%add3A_297] : memref<65536xi32, #tpu.memory_space<vmem>>[vector<16xi32>], vector<16xi32>,
        %mul3A_299 = arith.constant 128 : i32
        %mul3A_300 = vector.broadcast %mul3A_299 : i32 to vector<16xi32>
        %mul3A_301 = arith.muli %gather3A_298, %mul3A_300 : vector<16xi32>
        %add3A_302 = arith.addi %mul3A_301, %and3A_282 : vector<16xi32>
        %gather3A_303 = tpu.vector_load_idx %arg6[%add3A_302] : memref<512xf32, #tpu.memory_space<vmem>>[vector<16xi32>], vector<16xf32>,
        %add3A_304 = arith.addf %add3A_248, %gather3A_303 : vector<16xf32>
        %add3A_305 = arith.constant 2 : i32
        %add3A_306 = vector.broadcast %add3A_305 : i32 to vector<16xi32>
        %add3A_307 = arith.addi %and3A_282, %add3A_306 : vector<16xi32>
        %and3A_308 = arith.constant 127 : i32
        %and3A_309 = vector.broadcast %and3A_308 : i32 to vector<16xi32>
        %and3A_310 = arith.andi %add3A_307, %and3A_309 : vector<16xi32>
        %add3A_311 = arith.addi %add3A_71, %and3A_296 : vector<16xi32>
        %gather3A_312 = tpu.vector_load_idx %arg5[%add3A_311] : memref<65536xi32, #tpu.memory_space<vmem>>[vector<16xi32>], vector<16xi32>,
        %mul3A_313 = arith.constant 128 : i32
        %mul3A_314 = vector.broadcast %mul3A_313 : i32 to vector<16xi32>
        %mul3A_315 = arith.muli %gather3A_312, %mul3A_314 : vector<16xi32>
        %add3A_316 = arith.addi %mul3A_315, %and3A_296 : vector<16xi32>
        %gather3A_317 = tpu.vector_load_idx %arg6[%add3A_316] : memref<512xf32, #tpu.memory_space<vmem>>[vector<16xi32>], vector<16xf32>,
        %add3A_318 = arith.addf %add3A_262, %gather3A_317 : vector<16xf32>
        %add3A_319 = arith.constant 2 : i32
        %add3A_320 = vector.broadcast %add3A_319 : i32 to vector<16xi32>
        %add3A_321 = arith.addi %and3A_296, %add3A_320 : vector<16xi32>
        %and3A_322 = arith.constant 127 : i32
        %and3A_323 = vector.broadcast %and3A_322 : i32 to vector<16xi32>
        %and3A_324 = arith.andi %add3A_321, %and3A_323 : vector<16xi32>
        scf.yield %add3A_276, %add3A_290, %add3A_304, %add3A_318 : vector<16xf32>, vector<16xf32>, vector<16xf32>, vector<16xf32>
      }
      %scan3A_78 = arith.constant 8 : i32
      %add3A_79 = arith.addf %scan3A_77#0, %scan3A_77#1 : vector<16xf32>
      %add3A_80 = arith.addf %scan3A_77#2, %scan3A_77#3 : vector<16xf32>
      %add3A_81 = arith.addf %add3A_79, %add3A_80 : vector<16xf32>
      %mul3A_82 = arith.constant 16 : i32
      %mul3A_83 = arith.muli %scan3A_50, %mul3A_82 : i32
      %swap3A = arith.index_cast %mul3A_83 : i32 to index
      %swap3A_84 = tpu.vector_load %arg7[%swap3A] {strides = array<i32>} : memref<512xf32, #tpu.memory_space<vmem>>, vector<16xf32>,
      tpu.vector_store %arg7[%swap3A], %add3A_81 {strides = array<i32>} : memref<512xf32, #tpu.memory_space<vmem>>, vector<16xf32>,
    }
    %scan3A_49 = arith.constant 32 : i32
    "tpu.region"() ({
      %run_scoped3A = tpu.sem_alloc : memref<!tpu.dma_semaphore, #tpu.memory_space<semaphore_mem>>
      %dma_start3A_50 = tpu.memref_slice %arg4[%mul3A_2] : memref<16384xf32, #tpu.memory_space<hbm>> -> memref<512xf32, #tpu.memory_space<hbm>>
      %dma_start3A_51 = tpu.memref_slice %arg4[%mul3A_2] : memref<16384xf32, #tpu.memory_space<hbm>> -> memref<512xf32, #tpu.memory_space<hbm>>
      tpu.enqueue_dma source(%arg7 : memref<512xf32, #tpu.memory_space<vmem>>) target(%dma_start3A_51 : memref<512xf32, #tpu.memory_space<hbm>>) target_semaphore(%run_scoped3A : memref<!tpu.dma_semaphore, #tpu.memory_space<semaphore_mem>>)
      %dma_wait3A = tpu.memref_slice %arg4[%mul3A_2] : memref<16384xf32, #tpu.memory_space<hbm>> -> memref<512xf32, #tpu.memory_space<hbm>>
      %dma_wait3A_52 = tpu.memref_slice %arg4[%mul3A_2] : memref<16384xf32, #tpu.memory_space<hbm>> -> memref<512xf32, #tpu.memory_space<hbm>>
      tpu.wait_dma2 semaphore(%run_scoped3A : memref<!tpu.dma_semaphore, #tpu.memory_space<semaphore_mem>>) src(%arg7 : memref<512xf32, #tpu.memory_space<vmem>>) dst(%dma_wait3A_52 : memref<512xf32, #tpu.memory_space<hbm>>)
      tpu.yield
    }) : () -> ()
    return
  }
}

</mosaic_0001>

<sc_bundles>
// kernel: kernel.3.cloned.1.call-start
scs
__scs_entry_jumppad:
0x0: {  	(pc) =	sbr.rel $0x88, $3  }
0x1: {  	(tag) =	ssettag $0x0;
	lr =	simm.s32 $0x1  }
0x2: {  	[smem:$0x3F9F] =	sst lr;
	_ =	strace $0xD0000000  }
0x3: {  	_ = 	snop  }
0x4: {  	_ = 	snop  }
0x5: {  	_ = 	snop  }
0x6: {  	_ = 	snop  }
0x7: {  	_ = 	snop  }
__scs_overlays_trampoline_lowered:
0x8: {  	[smem:$0x3FAE] =	sst s0  }
0x9: {  	[smem:$0x3FAF] =	sst s1  }
0xa: {  	[smem:$0x3FB0] =	sst s2  }
0xb: {  	[smem:$0x3FB1] =	sst s3  }
0xc: {  	[smem:$0x3FB2] =	sst s4  }
0xd: {  	[smem:$0x3FB3] =	sst s5  }
0xe: {  	[smem:$0x3FB4] =	sst s6  }
0xf: {  	[smem:$0x3FB5] =	sst s7  }
0x10: {  	[smem:$0x3FB6] =	sst s8  }
0x11: {  	[smem:$0x3FB7] =	sst s9;
	s0 =	simm.s32 @!p0 $0x0  }
0x12: {  	s1 =	sld [smem:$0x3F9D];
	s0 =	simm.s32 @p0 $0x1  }
0x13: {  	[smem:$0x3FB8] =	sst s0;
	s0 =	simm.s32 @!p1 $0x0  }
0x14: {  	s2 =	sld [smem:$0x3F9C];
	s0 =	simm.s32 @p1 $0x1  }
0x15: {  	[smem:$0x3FB9] =	sst s0;
	s0 =	simm.s32 @!p2 $0x0  }
0x16: {  	s3 =	sld [smem:$0x3FDB];
	s0 =	simm.s32 @p2 $0x1  }
0x17: {  	s4 =	simm.s32 $0x1BF5;
	[smem:$0x3FBB] =	sst s0  }
0x18: {  	s0 =	sld [smem:$0x3F9E];
	_ =	swait.ge [sflag:s4], $0x0  }
0x19: {  	s7 =	sld [smem:$0x3F9F]  }
0x1a: {  	s8 =	sadd.s32 $0xFFFFE003, lr  }
0x1b: {  	s9 =	sadd.s32 $0xFFFFFEF7, lr;
	s5 =	simm.s32 $0xFFFFFFFF;
	p2 =	slt.u32 s8, $0xFFFFF086  }
0x1c: {  	p1 =	slt.u32 s9, $0xF7A;
	s5 =	simm.s32 @!p2 $0x0  }
0x1d: {  	s5 =	simm.s32 @p1 $0x1;
	p0 =	seq.s32 s7, s2  }
0x1e: {  	s7 =	smul.u32 @!p0 $0xF7A, s2;
	p2 =	seq.s32 @!p0 s5, $0x0  }
0x1f: {  	s9 =	smul.u32 $0xF7A, s1;
	s8 =	simm.s32 @!p0 $0x1BF5;
	p2 =	por !p2, p0  }
0x20: {  	[sflag:s8] =	ssyncset.s32 @!p0 $0xFFFFF086;
	s6 =	sadd.s32 @!p0 s3, s7;
	s7 =	simm.s32 @!p0 $0x108  }
0x21: {  	s3 =	sadd.s32 s3, s9;
	s6 =	sadd.s32 @!p0 $0x88, s6;
	s7 =	simm.s32 @p2 $0x1082  }
0x22: {  	[simem:s7], [sflag:s8] =	dma.local @!p0 [hbm:s6], $0xF7A  }
0x23: {  	s9 =	sor.u32 $0xD0000000, s2;
	s6 =	simm.s32 $0x108;
	_ =	swait.ge @!p0 [sflag:s8], $0x0  }
0x24: {  	s3 =	sadd.s32 $0x88, s3;
	s6 =	simm.s32 @!p1 $0x1082;
	[sflag:s4] =	ssyncset.s32 $0xFFFFF086  }
0x25: {  	[simem:s6], [sflag:s4] =	dma.local [hbm:s3], $0xF7A  }
0x26: {  	[smem:$0x3F9F] =	sst s1;
	(tag) =	ssettag s2;
	_ =	strace s9  }
0x27: {  	s1 =	sld [smem:$0x3FAF]  }
0x28: {  	s2 =	sld [smem:$0x3FB0]  }
0x29: {  	s4 =	sld [smem:$0x3FB2]  }
0x2a: {  	p0 =	seq.s32 s5, $0x0;
	s5 =	sld [smem:$0x3FB3]  }
0x2b: {  	s6 =	sld [smem:$0x3FB4]  }
0x2c: {  	s7 =	sld [smem:$0x3FB5]  }
0x2d: {  	s3 =	simm.s32 $0x108;
	s8 =	sld [smem:$0x3FB6]  }
0x2e: {  	s3 =	simm.s32 @!p0 $0x1082;
	s9 =	sld [smem:$0x3FB7]  }
0x2f: {  	lr =	sadd.s32 s0, s3;
	s0 =	sld [smem:$0x3FAE]  }
0x30: {  	s3 =	sld [smem:$0x3FB1]  }
0x31: {  	[smem:$0x3FBA] =	sst s10  }
0x32: {  	s10 =	sld [smem:$0x3FB8];
	_ =	sdelay $0x3  }
0x33: {  	p0 =	seq.s32 s10, $0x1;
	s10 =	sld [smem:$0x3FBA];
	_ =	sdelay $0x3  }
0x34: {  	[smem:$0x3FBA] =	sst s10  }
0x35: {  	s10 =	sld [smem:$0x3FB9];
	_ =	sdelay $0x3  }
0x36: {  	p1 =	seq.s32 s10, $0x1;
	s10 =	sld [smem:$0x3FBA];
	_ =	sdelay $0x3  }
0x37: {  	[smem:$0x3FBA] =	sst s10  }
0x38: {  	s10 =	sld [smem:$0x3FBB]  }
0x39: {  	_ = 	snop;
	(pc) =	sbr.ind lr, $3  }
0x3a: {  	_ = 	snop  }
0x3b: {  	_ = 	snop  }
0x3c: {  	p2 =	seq.s32 s10, $0x1;
	s10 =	sld [smem:$0x3FBA]  }
0x3d: {  	_ =	shalt  }
0x3e: {  	_ =	shalt  }
0x3f: {  	_ =	shalt  }
0x40: {  	_ =	shalt  }
0x41: {  	_ =	shalt  }
0x42: {  	_ =	shalt  }
0x43: {  	_ =	shalt  }
0x44: {  	_ =	shalt  }
0x45: {  	_ =	shalt  }
0x46: {  	_ =	shalt  }
0x47: {  	_ =	shalt  }
0x48: {  	_ =	shalt  }
0x49: {  	_ =	shalt  }
0x4a: {  	_ =	shalt  }
0x4b: {  	_ =	shalt  }
0x4c: {  	_ =	shalt  }
0x4d: {  	_ =	shalt  }
0x4e: {  	_ =	shalt  }
0x4f: {  	_ =	shalt  }
0x50: {  	_ =	shalt  }
0x51: {  	_ =	shalt  }
0x52: {  	_ =	shalt  }
0x53: {  	_ =	shalt  }
0x54: {  	_ =	shalt  }
0x55: {  	_ =	shalt  }
0x56: {  	_ =	shalt  }
0x57: {  	_ =	shalt  }
0x58: {  	_ =	shalt  }
0x59: {  	_ =	shalt  }
0x5a: {  	_ =	shalt  }
0x5b: {  	_ =	shalt  }
0x5c: {  	_ =	shalt  }
0x5d: {  	_ =	shalt  }
0x5e: {  	_ =	shalt  }
0x5f: {  	_ =	shalt  }
0x60: {  	_ =	shalt  }
0x61: {  	_ =	shalt  }
0x62: {  	_ =	shalt  }
0x63: {  	_ =	shalt  }
0x64: {  	_ =	shalt  }
0x65: {  	_ =	shalt  }
0x66: {  	_ =	shalt  }
0x67: {  	_ =	shalt  }
0x68: {  	_ =	shalt  }
0x69: {  	_ =	shalt  }
0x6a: {  	_ =	shalt  }
0x6b: {  	_ =	shalt  }
0x6c: {  	_ =	shalt  }
0x6d: {  	_ =	shalt  }
0x6e: {  	_ =	shalt  }
0x6f: {  	_ =	shalt  }
0x70: {  	_ =	shalt  }
0x71: {  	_ =	shalt  }
0x72: {  	_ =	shalt  }
0x73: {  	_ =	shalt  }
0x74: {  	_ =	shalt  }
0x75: {  	_ =	shalt  }
0x76: {  	_ =	shalt  }
0x77: {  	_ =	shalt  }
0x78: {  	_ =	shalt  }
0x79: {  	_ =	shalt  }
0x7a: {  	_ =	shalt  }
0x7b: {  	_ =	shalt  }
0x7c: {  	_ =	shalt  }
0x7d: {  	_ =	shalt  }
0x7e: {  	_ =	shalt  }
0x7f: {  	_ =	shalt  }
0x80: {  	_ =	shalt  }
0x81: {  	_ =	shalt  }
0x82: {  	_ =	shalt  }
0x83: {  	_ =	shalt  }
0x84: {  	_ =	shalt  }
0x85: {  	_ =	shalt  }
0x86: {  	_ =	shalt  }
0x87: {  	_ =	shalt  }
.Lfunc_end0:
.L_simem_size_0:
called_computation_lowered:
.L_overlay_start_0:
0x88: {  	s2 =	sld [smem:$0x3FD9]  }
0x89: {  	s3 =	sld [smem:$0x3FFE];
	_ =	sdelay $0x1  }
0x8a: {  	s1 =	srdreg.scid  }
0x8b: {  	s0 =	sand.u32 $0x1, s1  }
0x8c: {  	s17 =	sshll.u32 s0, $0xA;
	s2 =	sadd.s32 s3, s2  }
0x8d: {  	s2 =	sadd.s32 s2, s17  }
0x8e: {  	[smem:$0x3FC6] =	sst s2  }
0x8f: {  	_ = 	snop  }
0x90: {  	s2 =	sld [smem:$0x3FC9]  }
0x91: {  	s18 =	sld [smem:$0x3FD0];
	(tm) =	ssettm $0x1  }
0x92: {  	s4 =	sld [smem:$0x3FFB];
	_ =	sdelay $0x3  }
0x93: {  	_ =	strace s4  }
0x94: {  	s4 =	sld [smem:$0x3FFC];
	_ =	sdelay $0x3  }
0x95: {  	_ =	strace s4  }
0x96: {  	s4 =	sld [smem:$0x3FFD];
	_ =	sdelay $0x3  }
0x97: {  	_ =	strace s4  }
0x98: {  	_ =	strace $0x8FFFFFFF  }
0x99: {  	s19 =	sld [smem:$0x3FDB];
	_ =	sdelay $0x1  }
0x9a: {  	s5 =	simm.s32 $_scs_section_size  }
0x9b: {  	s6 =	simm.s32 $_size__tile_overlayer_lowered;
	s7 =	simm.s32 $_tile_overlayer_lowered  }
0x9c: {  	s22 =	simm.s32 $0x1BFF;
	s21 =	sshll.u32 s7, $0x1;
	s4 =	sadd.s32 s5, s19  }
0x9d: {  	s8 =	simm.s32 $0x0;
	s20 =	sshll.u32 s6, $0x1;
	s6 =	sadd.s32 s21, s4  }
0x9e: {  	[timem:s8], [sflag:s22] =	dma.local [hbm:s6], s20  }
0x9f: {  	_ =	swait.ge [sflag:s22], s20  }
0xa0: {  	s5 =	ssub.s32 $0x0, s20;
	[sflag:s22] =	ssyncset.done $0x0  }
0xa1: {  	[sflag:s22] =	ssyncadd.s32 s5;
	_ =	sdelay $0x1  }
0xa2: {  	s23 =	simm.s32 $0x1B8B  }
0xa3: {  	_ =	swait.ge [sflag:s23], $0x1  }
0xa4: {  	[sflag:s23] =	ssyncset.done $0x0  }
0xa5: {  	s25 =	simm.s32 $0x1B8E;
	s24 =	sld [smem:$0x3FFE];
	[sflag:s23] =	ssyncadd.s32 $0xFFFFFFFF  }
0xa6: {  	s26 =	simm.s32 $execute0_lowered;
	[smem:$0x3FD2] =	sst s25  }
0xa7: {  	s6 =	sshll.u32 s26, $0x1;
	_ =	strace $0x80000046;
	[dreg:$0x1] =	wrdreg $0xFFFFFFFF  }
0xa8: {  	s28 =	simm.s32 $_size_execute0_lowered;
	s4 =	sadd.s32 s4, s6;
	[dreg:$0x0] =	wrdreg $0x0  }
0xa9: {  	s6 =	sshll.u32 s28, $0x1;
	[dreg:$0x2] =	wrdreg s4  }
0xaa: {  	[dreg:$0x3] =	wrdreg s6  }
0xab: {  	[dreg:$0x4] =	wrdreg $0xC0  }
0xac: {  	_ =	task [dreg:s8], $0x5FFFF  }
0xad: {  	[dreg:$0x1] =	wrdreg $0xFFFFFFFF  }
0xae: {  	[dreg:$0x0] =	wrdreg $0x60  }
0xaf: {  	[dreg:$0x2] =	wrdreg s2  }
0xb0: {  	[dreg:$0x3] =	wrdreg s24  }
0xb1: {  	[dreg:$0x4] =	wrdreg s18  }
0xb2: {  	[dreg:$0x5] =	wrdreg $0x9  }
0xb3: {  	_ =	task.clear_ibuf [dreg:s8], $0x6FFFF;
	_ =	strace $0x90000046  }
0xb4: {  	s29 =	simm.s32 $0x9;
	_ =	strace $0x80000048  }
0xb5: {  	_ =	swait.ge [sflag:s29], $0x1  }
0xb6: {  	[sflag:s29] =	ssyncadd.s32 $0xFFFFFFFF  }
0xb7: {  	_ =	strace $0x90000048  }
0xb8: {  	_ =	sfence  }
0xb9: {  	s30 =	sld [smem:$0x0];
	_ =	sdelay $0x2  }
0xba: {  	s31 =	sshll.u32 s1, $0xD;
	s1 =	sshrl.u32 s1, $0x2  }
0xbb: {  	s3 =	sand.u32 $0x4000, s31;
	s1 =	sadd.s32 s1, s30  }
0xbc: {  	s0 =	sor.u32 s3, s0;
	s1 =	sshll.u32 s1, $0x11  }
0xbd: {  	s0 =	sor.u32 s1, s0  }
0xbe: {  	s0 =	sadd.s32 $0x8F2B, s0  }
0xbf: {  	[sflag:s0] =	ssyncadd.remote.s32 $0x1  }
0xc0: {  	_ =	sfence.sel $0xFFFF  }
0xc1: {  	[dreg:$0x0] =	wrdreg $0xFFFFFFFF;
	(pc) =	sbr.abs _section_cstart, $3  }
0xc2: {  	[dreg:$0x1] =	wrdreg $0xFFFFFFFF  }
0xc3: {  	_ =	task.clear_ibuf [dreg:s8], $0x2FFFF;
	_ =	strace $0x9FFFFFFF  }
0xc4: {  	(tm) =	ssettm $0x7FFFFFFF  }
0xc5: {  	_ =	shalt  }
tec
execute0_lowered:
.L_overlay_start_1:
0x0: {  	(tag) =	ssettag $0x1  }
0x1: {  	s4 =	rddreg [dreg:$0x0]  }
0x2: {  	s3 =	rddreg [dreg:$0x1]  }
0x3: {  	s8 =	rddreg [dreg:$0x2]  }
0x4: {  	s0 =	rddreg [dreg:$0x3];
	s5 =	srdreg.scid  }
0x5: {  	s1 =	stileid.u32;
	s2 =	simm.s32 $0x0;
	s11 =	simm.s32 $0x4000  }
0x6: {  	s12 =	simm.s32 $0x8000;
	s13 =	simm.s32 $0xC000;
	s14 =	simm.s32 $0x3  }
0x7: {  	v0 =	vlaneseq.u32;
	s15 =	simm.s32 $0x10200;
	s16 =	simm.s32 $0x4;
	s17 =	simm.s32 $0x0  }
0x8: {  	s5 =	sand.u32 $0x1, s5;
	s6 =	sshll.u32 s1, $0x1;
	[smem:$0x7FF] =	sst s2;
	v1 =	vmul.u32 $0x80, v0;
	v2 =	vmul.u32 $0x81, v0  }
0x9: {  	s3 =	sadd.s32 $0x400, s3;
	v3 =	vadd.s32 $0x1, v0;
	v4 =	vadd.s32 $0x2, v0;
	v5 =	vadd.s32 $0x3, v0;
	s6 =	sor.u32 s5, s6;
	s5 =	ssub.s32 $0x2, s5  }
0xa: {  	v6 =	vadd.s32 $0x4, v0;
	v7 =	vadd.s32 $0x5, v0;
	v8 =	vadd.s32 $0x6, v0;
	_ =	strace $0x80000047;
	s7 =	sshll.u32 s6, $0xD;
	s9 =	sshrl.u32 s5, $0x1  }
0xb: {  	v9 =	vadd.s32 $0x7, v0;
	v10 =	vadd.s32 $0x8, v0;
	v11 =	vadd.s32 $0x9, v0;
	s10 =	sshll.u32 s6, $0x6;
	s4 =	sadd.s32 s4, s7;
	s9 =	ssub.s32 s5, s9  }
0xc: {  	v12 =	vadd.s32 $0xA, v0;
	v13 =	vadd.s32 $0xB, v0;
	v14 =	vadd.s32 $0xC, v0;
	s8 =	sadd.s32 s8, s10;
	s10 =	simm.s32 $0x10000;
	s5 =	sadd.s32 $0x800, s4  }
0xd: {  	v15 =	vadd.s32 $0xD, v0;
	v16 =	vadd.s32 $0xE, v0;
	v17 =	vadd.s32 $0xF, v0;
	s6 =	sadd.s32 $0x1000, s4;
	s7 =	sadd.s32 $0x1800, s4;
	s9 =	smax.u32 s9, $0x1  }
.LBB2_1:
0xe: {  	[tilespmem:s2], [sflag:$0x1] =	stream.linear.gather [hbm4b:s4+s2], $0x4000, $0x38;
	[tilespmem:$0x10400] =	vst v63  }
0xf: {  	_ = 	snop  }
0x10: {  	[tilespmem:s10], [sflag:$0x3] =	stream.linear.gather [hbm4b:s3+s2], $0x200, $0x38;
	[tilespmem:$0x10400] =	vst v63  }
0x11: {  	_ = 	snop  }
0x12: {  	[tilespmem:s11], [sflag:$0x2] =	stream.linear.gather [hbm4b:s5+s2], $0x4000, $0x38;
	[tilespmem:$0x10400] =	vst v63  }
0x13: {  	_ = 	snop  }
0x14: {  	[tilespmem:s12], [sflag:$0x2] =	stream.linear.gather [hbm4b:s6+s2], $0x4000, $0x38;
	[tilespmem:$0x10400] =	vst v63  }
0x15: {  	_ = 	snop  }
0x16: {  	[tilespmem:s13], [sflag:$0x2] =	stream.linear.gather [hbm4b:s7+s2], $0x4000, $0x38;
	[tilespmem:$0x10400] =	vst v63  }
0x17: {  	_ =	swait.ge [sflag:s14], $0x200  }
0x18: {  	[sflag:s14] =	ssyncset.done $0x0  }
0x19: {  	s18 =	simm.s32 $0x0;
	[sflag:s14] =	ssyncadd.s32 $0xFFFFFE00  }
.LBB2_2:
0x1a: {  	p0 =	sgt.s32 s18, $0xF  }
.Ltmp0:
0x1b: {  	_ = 	snop;
	(pc) =	sbr.rel @p0 .LBB2_6-.Ltmp0, $1  }
0x1c: {  	_ =	sdelay $0x3  }
0x1d: {  	p0 =	seq.s32 s18, $0x0  }
.Ltmp1:
0x1e: {  	_ = 	snop;
	(pc) =	sbr.rel @p0 .LBB2_4-.Ltmp1, $1  }
0x1f: {  	_ =	sdelay $0x3  }
0x20: {  	p0 =	seq.s32 s18, $0x8  }
.Ltmp2:
0x21: {  	_ = 	snop;
	(pc) =	sbr.rel @p0 .LBB2_7-.Ltmp2, $4  }
.Ltmp3:
0x22: {  	_ = 	snop;
	(pc) =	sbr.rel @!p0 .LBB2_9-.Ltmp3, $4  }
0x23: {  	_ = 	snop  }
0x24: {  	_ = 	snop  }
0x25: {  	_ = 	snop  }
0x26: {  	_ = 	snop  }
.LBB2_6:
0x27: {  	p0 =	seq.s32 s18, $0x18  }
0x28: {  	p1 =	sne.s32 @!p0 s18, $0x10  }
0x29: {  	p0 =	por p0, !p1  }
.Ltmp4:
0x2a: {  	_ = 	snop;
	(pc) =	sbr.rel @!p0 .LBB2_9-.Ltmp4, $1  }
0x2b: {  	_ =	sdelay $0x3  }
.LBB2_7:
.Ltmp5:
0x2c: {  	(pc) =	sbr.rel .LBB2_8-.Ltmp5, $2  }
0x2d: {  	_ =	sdelay $0x2  }
0x2e: {  	s19 =	simm.s32 $0x2  }
.LBB2_4:
0x2f: {  	s19 =	simm.s32 $0x1  }
.LBB2_8:
0x30: {  	_ =	swait.ge [sflag:s19], $0x4000  }
0x31: {  	[sflag:s19] =	ssyncset.done $0x0  }
0x32: {  	[sflag:s19] =	ssyncadd.s32 $0xFFFFC000  }
.LBB2_9:
0x33: {  	s19 =	simm.s32 $0x0  }
0x34: {  	s20 =	sshll.u32 s18, $0xB;
	v19 =	vadd.s32 s19, v3  }
0x35: {  	v18 =	vor.u32 s20, v1;
	v20 =	vadd.s32 s19, v4;
	v21 =	vand.u32 $0x7F, v19  }
0x36: {  	v20 =	vand.u32 $0x7F, v20;
	v22 =	vor.u32 v18, v21  }
0x37: {  	v23 =	vadd.s32 s19, v5;
	v19 =	vor.u32 s20, v2;
	v24 =	vor.u32 v18, v20  }
0x38: {  	v25 =	vadd.s32 s19, v7;
	v23 =	vand.u32 $0x7F, v23;
	v26 =	vor.u32 s19, v19  }
0x39: {  	v27 =	vadd.s32 s19, v8;
	v25 =	vand.u32 $0x7F, v25;
	v28 =	vor.u32 v18, v23  }
0x3a: {  	v30 =	vadd.s32 s19, v6;
	v27 =	vand.u32 $0x7F, v27;
	v29 =	vor.u32 v18, v25  }
0x3b: {  	v31 =	vadd.s32 s19, v11;
	v33 =	vand.u32 $0x7F, v30;
	v32 =	vor.u32 v18, v27;
	v22 =	vld.idx.msk [tilespmem:v22+s2+$0x0], $0xffff  }
0x3c: {  	v30 =	vand.u32 $0x7F, v31;
	v31 =	vor.u32 v18, v33;
	v34 =	vld.idx.msk [tilespmem:v24+s2+$0x0], $0xffff  }
0x3d: {  	v26 =	vld.idx.msk [tilespmem:v26+s2+$0x0], $0xffff  }
0x3e: {  	v36 =	vld.idx.msk [tilespmem:v28+s2+$0x0], $0xffff  }
0x3f: {  	v35 =	vor.u32 v18, v30;
	v24 =	vadd.s32 s19, v16;
	v29 =	vld.idx.msk [tilespmem:v29+s2+$0x0], $0xffff  }
0x40: {  	v38 =	vadd.s32 s19, v12;
	v32 =	vld.idx.msk [tilespmem:v32+s2+$0x0], $0xffff;
	v41 =	vand.u32 $0x7F, v24;
	v24 =	vadd.s32 s19, v15  }
0x41: {  	v39 =	vadd.s32 s19, v10;
	v31 =	vld.idx.msk [tilespmem:v31+s2+$0x0], $0xffff;
	v37 =	vor.u32 v18, v41;
	v42 =	vand.u32 $0x7F, v24  }
0x42: {  	v28 =	vimm.f32 $0.0e+00;
	v24 =	vand.u32 $0x7F, v38;
	v62 =	vor.u32 v18, v42  }
0x43: {  	v40 =	vor.u32 v18, v24;
	v22 =	vshll.u32 v22, $0x7;
	v34 =	vshll.u32 v34, $0x7  }
0x44: {  	v35 =	vld.idx.msk [tilespmem:v35+s2+$0x0], $0xffff;
	v26 =	vshll.u32 v26, $0x7;
	v36 =	vshll.u32 v36, $0x7;
	v34 =	vor.u32 v20, v34  }
0x45: {  	v29 =	vshll.u32 v29, $0x7;
	v32 =	vshll.u32 v32, $0x7;
	v21 =	vor.u32 v21, v22  }
0x46: {  	v31 =	vshll.u32 v31, $0x7;
	v26 =	vadd.s32 s19, v26;
	v23 =	vor.u32 v23, v36;
	v43 =	vld.idx.msk [tilespmem:v37+s2+$0x0], $0xffff  }
0x47: {  	v22 =	vadd.s32 s19, v9;
	v20 =	vand.u32 $0x7F, v39;
	v44 =	vadd.s32 v0, v26;
	v45 =	vld.idx.msk [tilespmem:v62+s2+$0x0], $0xffff  }
0x48: {  	v27 =	vor.u32 v27, v32;
	v22 =	vand.u32 $0x7F, v22;
	v37 =	vor.u32 v25, v29;
	v38 =	vld.idx.msk [tilespmem:v40+s2+$0x0], $0xffff  }
0x49: {  	v25 =	vshll.u32 v35, $0x7;
	v46 =	vor.u32 v18, v20;
	v29 =	vadd.s32 s19, v14;
	v26 =	vld.idx.msk [tilespmem:v34+s10+$0x0], $0xffff  }
0x4a: {  	v36 =	vor.u32 v30, v25;
	v40 =	vor.u32 v33, v31;
	v31 =	vadd.s32 s19, v13;
	v30 =	vld.idx.msk [tilespmem:v21+s10+$0x0], $0xffff  }
0x4b: {  	v39 =	vor.u32 v18, v22;
	v32 =	vand.u32 $0x7F, v31;
	v21 =	vld.idx.msk [tilespmem:v23+s10+$0x0], $0xffff;
	v23 =	vadd.s32 s19, v17  }
0x4c: {  	v31 =	vimm.f32 $0.0e+00;
	v25 =	vshll.u32 v43, $0x7;
	v33 =	vld.idx.msk [tilespmem:v44+s10+$0x0], $0xffff;
	v34 =	vand.u32 $0x7F, v23  }
0x4d: {  	v35 =	vor.u32 v41, v25;
	v25 =	vand.u32 $0x7F, v29;
	v63 =	vshll.u32 v45, $0x7;
	v29 =	vld.idx.msk [tilespmem:v27+s10+$0x0], $0xffff  }
0x4e: {  	s19 =	simm.s32 $0x10;
	v23 =	vimm.f32 $0.0e+00;
	v41 =	vld.idx.msk [tilespmem:v46+s2+$0x0], $0xffff;
	v27 =	vimm.f32 $0.0e+00;
	v42 =	vor.u32 v42, v63  }
.LBB2_10:
0x4f: {  	v43 =	vadd.s32 s19, v3;
	v44 =	vadd.s32 s19, v7;
	p0 =	sne.s32 s19, $0x70;
	v40 =	vld.idx.msk [tilespmem:v40+s10+$0x0], $0xffff;
	v45 =	vor.u32 v18, v34;
	s20 =	smov.u32 s19;
	s19 =	sadd.s32 $0x10, s19  }
0x50: {  	v48 =	vor.u32 v18, v32;
	v46 =	vadd.s32 s20, v4;
	v47 =	vadd.s32 s20, v5;
	v37 =	vld.idx.msk [tilespmem:v37+s10+$0x0], $0xffff  }
0x51: {  	v38 =	vshll.u32 v38, $0x7;
	v43 =	vand.u32 $0x7F, v43;
	v46 =	vand.u32 $0x7F, v46;
	v39 =	vld.idx.msk [tilespmem:v39+s2+$0x0], $0xffff  }
0x52: {  	v51 =	vor.u32 v18, v25;
	v49 =	vor.u32 v18, v43;
	v50 =	vor.u32 v18, v46;
	v36 =	vld.idx.msk [tilespmem:v36+s10+$0x0], $0xffff  }
0x53: {  	v52 =	vadd.s32 s20, v8;
	v44 =	vand.u32 $0x7F, v44;
	v24 =	vor.u32 v24, v38;
	v38 =	vld.idx.msk [tilespmem:v42+s10+$0x0], $0xffff  }
0x54: {  	v53 =	vadd.s32 s20, v11;
	v42 =	vor.u32 v18, v44;
	v41 =	vshll.u32 v41, $0x7;
	v45 =	vld.idx.msk [tilespmem:v45+s2+$0x0], $0xffff  }
0x55: {  	v47 =	vand.u32 $0x7F, v47;
	v52 =	vand.u32 $0x7F, v52;
	v53 =	vand.u32 $0x7F, v53;
	v48 =	vld.idx.msk [tilespmem:v48+s2+$0x0], $0xffff  }
0x56: {  	v54 =	vor.u32 s20, v19;
	v28 =	vadd.f32 v33, v28;
	v55 =	vor.u32 v18, v47;
	v33 =	vld.idx.msk [tilespmem:v35+s10+$0x0], $0xffff  }
0x57: {  	v56 =	vor.u32 v18, v52;
	v35 =	vadd.s32 s20, v6;
	v39 =	vshll.u32 v39, $0x7;
	v51 =	vld.idx.msk [tilespmem:v51+s2+$0x0], $0xffff  }
0x58: {  	v27 =	vadd.f32 v30, v27;
	v35 =	vand.u32 $0x7F, v35;
	v22 =	vor.u32 v22, v39;
	v24 =	vld.idx.msk [tilespmem:v24+s10+$0x0], $0xffff  }
0x59: {  	v26 =	vadd.f32 v26, v31;
	v39 =	vor.u32 v18, v35;
	v30 =	vld.idx.msk [tilespmem:v49+s2+$0x0], $0xffff;
	v49 =	vor.u32 v18, v53  }
0x5a: {  	v27 =	vadd.f32 v37, v27;
	v37 =	vor.u32 v20, v41;
	v20 =	vshll.u32 v45, $0x7;
	v31 =	vld.idx.msk [tilespmem:v42+s2+$0x0], $0xffff  }
0x5b: {  	v42 =	vadd.s32 s20, v16;
	v45 =	vshll.u32 v48, $0x7;
	v34 =	vor.u32 v34, v20;
	v41 =	vld.idx.msk [tilespmem:v50+s2+$0x0], $0xffff  }
0x5c: {  	v20 =	vadd.f32 v29, v26;
	v26 =	vadd.f32 v36, v27;
	v42 =	vand.u32 $0x7F, v42;
	v48 =	vld.idx.msk [tilespmem:v54+s2+$0x0], $0xffff  }
0x5d: {  	v27 =	vadd.s32 s20, v10;
	v36 =	vadd.s32 s20, v12;
	v32 =	vor.u32 v32, v45;
	v29 =	vld.idx.msk [tilespmem:v56+s2+$0x0], $0xffff  }
0x5e: {  	v50 =	vadd.s32 s20, v9;
	v54 =	vor.u32 v18, v42;
	v45 =	vld.idx.msk [tilespmem:v55+s2+$0x0], $0xffff;
	v55 =	vadd.f32 v24, v20  }
0x5f: {  	v51 =	vshll.u32 v51, $0x7;
	v20 =	vshll.u32 v30, $0x7;
	v30 =	vld.idx.msk [tilespmem:v49+s2+$0x0], $0xffff;
	v49 =	vadd.s32 s20, v15  }
0x60: {  	v24 =	vand.u32 $0x7F, v36;
	v43 =	vor.u32 v43, v20;
	v39 =	vld.idx.msk [tilespmem:v39+s2+$0x0], $0xffff;
	v49 =	vand.u32 $0x7F, v49  }
0x61: {  	v25 =	vor.u32 v25, v51;
	v20 =	vand.u32 $0x7F, v27;
	v36 =	vor.u32 v18, v49;
	v56 =	vld.idx.msk [tilespmem:v22+s10+$0x0], $0xffff  }
0x62: {  	v27 =	vshll.u32 v48, $0x7;
	v22 =	vand.u32 $0x7F, v50;
	v48 =	vor.u32 v18, v24;
	v32 =	vld.idx.msk [tilespmem:v32+s10+$0x0], $0xffff  }
0x63: {  	v41 =	vshll.u32 v41, $0x7;
	v50 =	vadd.s32 s20, v27;
	v27 =	vadd.f32 v38, v26;
	v51 =	vld.idx.msk [tilespmem:v37+s10+$0x0], $0xffff  }
0x64: {  	v31 =	vshll.u32 v31, $0x7;
	v26 =	vor.u32 v46, v41;
	v29 =	vshll.u32 v29, $0x7;
	v41 =	vld.idx.msk [tilespmem:v54+s2+$0x0], $0xffff  }
0x65: {  	v21 =	vadd.f32 v21, v23;
	v37 =	vshll.u32 v45, $0x7;
	v29 =	vor.u32 v52, v29;
	v23 =	vld.idx.msk [tilespmem:v34+s10+$0x0], $0xffff  }
0x66: {  	v45 =	vor.u32 v47, v37;
	v34 =	vadd.s32 v0, v50;
	v46 =	vshll.u32 v39, $0x7;
	v47 =	vld.idx.msk [tilespmem:v25+s10+$0x0], $0xffff  }
0x67: {  	v28 =	vadd.f32 v40, v28;
	v37 =	vor.u32 v44, v31;
	v25 =	vshll.u32 v30, $0x7;
	v44 =	vld.idx.msk [tilespmem:v36+s2+$0x0], $0xffff  }
0x68: {  	v39 =	vor.u32 v18, v22;
	v21 =	vadd.f32 v56, v21;
	v36 =	vor.u32 v53, v25;
	v38 =	vld.idx.msk [tilespmem:v48+s2+$0x0], $0xffff  }
0x69: {  	v40 =	vor.u32 v35, v46;
	v46 =	vor.u32 v18, v20;
	v28 =	vadd.f32 v51, v28;
	v26 =	vld.idx.msk [tilespmem:v26+s10+$0x0], $0xffff  }
.Ltmp6:
0x6a: {  	v31 =	vadd.f32 v33, v55;
	v32 =	vadd.f32 v32, v21;
	v25 =	vshll.u32 v41, $0x7;
	v30 =	vld.idx.msk [tilespmem:v43+s10+$0x0], $0xffff;
	(pc) =	sbr.rel @p0 .LBB2_10-.Ltmp6, $4  }
0x6b: {  	v41 =	vadd.s32 s20, v14;
	v35 =	vor.u32 v42, v25;
	v21 =	vld.idx.msk [tilespmem:v45+s10+$0x0], $0xffff  }
0x6c: {  	v25 =	vand.u32 $0x7F, v41;
	v23 =	vadd.f32 v23, v32;
	v33 =	vld.idx.msk [tilespmem:v34+s10+$0x0], $0xffff;
	v34 =	vadd.s32 s20, v17  }
0x6d: {  	v32 =	vadd.s32 s20, v13;
	v28 =	vadd.f32 v47, v28;
	v42 =	vshll.u32 v44, $0x7;
	v29 =	vld.idx.msk [tilespmem:v29+s10+$0x0], $0xffff  }
0x6e: {  	v32 =	vand.u32 $0x7F, v32;
	v42 =	vor.u32 v49, v42;
	v34 =	vand.u32 $0x7F, v34;
	v41 =	vld.idx.msk [tilespmem:v46+s2+$0x0], $0xffff  }
0x6f: {  	_ = 	snop  }
0x70: {  	v19 =	vor.u32 v18, v32  }
0x71: {  	v43 =	vor.u32 v18, v34  }
0x72: {  	v18 =	vor.u32 v18, v25  }
0x73: {  	v39 =	vld.idx.msk [tilespmem:v39+s2+$0x0], $0xffff;
	_ =	sdelay $0x1  }
0x74: {  	v19 =	vld.idx.msk [tilespmem:v19+s2+$0x0], $0xffff  }
0x75: {  	v43 =	vld.idx.msk [tilespmem:v43+s2+$0x0], $0xffff  }
0x76: {  	v38 =	vshll.u32 v38, $0x7;
	v18 =	vld.idx.msk [tilespmem:v18+s2+$0x0], $0xffff  }
0x77: {  	v40 =	vld.idx.msk [tilespmem:v40+s10+$0x0], $0xffff;
	v24 =	vor.u32 v24, v38;
	v53 =	vshll.u32 v39, $0x7  }
0x78: {  	v37 =	vld.idx.msk [tilespmem:v37+s10+$0x0], $0xffff;
	v54 =	vshll.u32 v41, $0x7;
	v22 =	vor.u32 v22, v53  }
0x79: {  	v36 =	vld.idx.msk [tilespmem:v36+s10+$0x0], $0xffff;
	v20 =	vor.u32 v20, v54;
	v19 =	vshll.u32 v19, $0x7  }
0x7a: {  	v55 =	vld.idx.msk [tilespmem:v42+s10+$0x0], $0xffff;
	v56 =	vshll.u32 v43, $0x7;
	v19 =	vor.u32 v32, v19  }
0x7b: {  	v35 =	vld.idx.msk [tilespmem:v35+s10+$0x0], $0xffff;
	v18 =	vshll.u32 v18, $0x7;
	v57 =	vor.u32 v34, v56  }
0x7c: {  	v24 =	vld.idx.msk [tilespmem:v24+s10+$0x0], $0xffff;
	v18 =	vor.u32 v25, v18  }
0x7d: {  	v22 =	vld.idx.msk [tilespmem:v22+s10+$0x0], $0xffff  }
0x7e: {  	v20 =	vld.idx.msk [tilespmem:v20+s10+$0x0], $0xffff  }
0x7f: {  	v58 =	vadd.f32 v30, v27;
	v26 =	vadd.f32 v26, v31;
	v19 =	vld.idx.msk [tilespmem:v19+s10+$0x0], $0xffff  }
0x80: {  	v21 =	vadd.f32 v21, v23;
	v59 =	vadd.f32 v33, v28;
	v60 =	vld.idx.msk [tilespmem:v57+s10+$0x0], $0xffff  }
0x81: {  	v26 =	vadd.f32 v29, v26;
	v25 =	vadd.f32 v37, v58;
	v18 =	vld.idx.msk [tilespmem:v18+s10+$0x0], $0xffff  }
0x82: {  	v27 =	vadd.f32 v40, v59;
	v21 =	vadd.f32 v22, v21  }
0x83: {  	v24 =	vadd.f32 v24, v26;
	v61 =	vadd.f32 v36, v25  }
0x84: {  	v20 =	vadd.f32 v20, v27;
	v19 =	vadd.f32 v19, v21  }
0x85: {  	v63 =	vadd.f32 v35, v24;
	v62 =	vadd.f32 v55, v61  }
0x86: {  	s19 =	sshll.u32 s18, $0x4;
	s18 =	sadd.s32 $0x1, s18;
	v18 =	vadd.f32 v18, v20;
	v19 =	vadd.f32 v60, v19  }
0x87: {  	p0 =	sne.s32 s18, $0x20  }
.Ltmp7:
0x88: {  	v18 =	vadd.f32 v62, v18;
	v19 =	vadd.f32 v19, v63;
	(pc) =	sbr.rel @p0 .LBB2_2-.Ltmp7, $4  }
0x89: {  	_ = 	snop  }
0x8a: {  	v18 =	vadd.f32 v19, v18  }
0x8b: {  	s19 =	sand.u32 $0x3FFFFFF0, s19  }
0x8c: {  	[tilespmem:s19+$0x10200] =	vst v18  }
0x8d: {  	s17 =	sadd.s32 $0x1, s17  }
0x8e: {  	p0 =	sne.s32 s17, s9  }
.Ltmp8:
0x8f: {  	_ = 	snop;
	(pc) =	sbr.rel @p0 .LBB2_1-.Ltmp8, $4  }
0x90: {  	[hbm4b:s8+s2] =	stream.linear.scatter [tilespmem:s15], [sflag:$0x4], $0x200, $0x38;
	[tilespmem:$0x10400] =	vst v63  }
0x91: {  	_ =	swait.ge [sflag:s16], $0x200  }
0x92: {  	[sflag:s16] =	ssyncset.done $0x0  }
0x93: {  	[sflag:s16] =	ssyncadd.s32 $0xFFFFFE00  }
0x94: {  	_ =	sfence.sel $0x180000  }
0x95: {  	[bflag:$0x0] =	sbarrier.arrive $0xFFFF  }
0x96: {  	p0 =	sne.s32 s1, $0x0;
	_ =	strace $0x90000047  }
0x97: {  	s0 =	sadd.s32 @!p0 $0x100000, s0;
	[bflag:$0x2] =	sbarrier.arrive $0xFFFF  }
0x98: {  	[sflag:s0] =	ssyncadd.tile.s32 @!p0 $0x1;
	_ =	shalt  }
.Lfunc_end2:
_tile_overlayer_lowered:
.L_overlay_start_2:
0x99: {  	(tag) =	ssettag $0x2  }
0x9a: {  	s0 =	rddreg [dreg:$0x0];
	s2 =	stileid.u32  }
0x9b: {  	s1 =	rddreg [dreg:$0x1];
	p0 =	sne.s32 s2, $0x0  }
0x9c: {  	s3 =	rddreg [dreg:$0x2];
	[bflag:$0x3] =	sbarrier.arrive $0xFFFF;
	s2 =	simm.s32 @!p0 $0x1C04  }
0x9d: {  	[timem:s3], [sflag:s2] =	dma.local @!p0 [hbm:s0], s1  }
0x9e: {  	s0 =	simm.s32 @!p0 $0x4  }
0x9f: {  	_ =	swait.ge @!p0 [sflag:s0], s1  }
0xa0: {  	s1 =	ssub.s32 @!p0 $0x0, s1;
	[sflag:s0] =	ssyncset.done @!p0 $0x0  }
0xa1: {  	[sflag:s0] =	ssyncadd.s32 @!p0 s1  }
0xa2: {  	[bflag:$0x3] =	sbarrier.arrive $0xFFFF  }
0xa3: {  	_ =	shalt  }

</sc_bundles>
